<compile_context>
chip_gen: v7x
topology: tpu7x:2x2x1
jax: 0.10.2.dev20260603
libtpu: 0.0.44.dev20260713+nightly
codegen_flags: <defaults>
</compile_context>

<pallas_src>
import functools

import jax
import jax.numpy as jnp
from jax import lax
from jax.experimental import pallas as pl
from jax.experimental.pallas import tpu as pltpu
from jax.experimental.pallas import tpu_sc as plsc

D_MODEL = 128
NUM_CORES = 2
NUM_SUBCORES = 16
NW = NUM_CORES * NUM_SUBCORES
CHUNK = 100
N_BUF = 4


@jax.jit
def _gather_flat(x_r, pe):
    n_chunks = x_r.shape[1]
    v, d = pe.shape
    assert n_chunks % N_BUF == 0
    mesh = plsc.VectorSubcoreMesh(
        core_axis_name="c",
        subcore_axis_name="s",
        num_cores=NUM_CORES,
        num_subcores=NUM_SUBCORES,
    )

    @functools.partial(
        pl.kernel,
        mesh=mesh,
        out_type=jax.ShapeDtypeStruct((NW, n_chunks, CHUNK, d), jnp.float32),
        scratch_types=[
            pltpu.VMEM((n_chunks, CHUNK), jnp.int32),
            pltpu.VMEM_SHARED((v, d), jnp.float32),
            [pltpu.VMEM((CHUNK, d), jnp.float32) for _ in range(N_BUF)],
            [pltpu.SemaphoreType.DMA for _ in range(N_BUF)],
            [pltpu.SemaphoreType.DMA for _ in range(N_BUF)],
        ],
    )
    def k(x_hbm, pe_hbm, out_hbm, idx_v, pe_sp, bufs, gsems, wsems):
        wid = lax.axis_index("s") * NUM_CORES + lax.axis_index("c")
        sid = lax.axis_index("s")
        rows_per_sub = v // NUM_SUBCORES
        pltpu.sync_copy(
            pe_hbm.at[pl.ds(sid * rows_per_sub, rows_per_sub)],
            pe_sp.at[pl.ds(sid * rows_per_sub, rows_per_sub)],
        )
        pltpu.sync_copy(x_hbm.at[wid], idx_v)
        plsc.subcore_barrier()

        for b in range(N_BUF):
            pltpu.async_copy(pe_sp.at[idx_v.at[b]], bufs[b], gsems[b])

        @pl.loop(0, n_chunks, step=N_BUF)
        def body(j):
            for b in range(N_BUF):
                pltpu.make_async_copy(
                    pe_sp.at[idx_v.at[j + b]], bufs[b], gsems[b]
                ).wait()
                pltpu.async_copy(bufs[b], out_hbm.at[wid, j + b], wsems[b])
            for b in range(N_BUF):
                @pl.when(j + N_BUF + b < n_chunks)
                def _():
                    pltpu.make_async_copy(
                        bufs[b], out_hbm.at[wid, j + b], wsems[b]
                    ).wait()
                    pltpu.async_copy(
                        pe_sp.at[idx_v.at[j + N_BUF + b]], bufs[b], gsems[b]
                    )

        for b in range(N_BUF):
            last = n_chunks - N_BUF + b
            pltpu.make_async_copy(bufs[b], out_hbm.at[wid, last], wsems[b]).wait()

    return k(x_r, pe)


def kernel(x, pe):
    b, s = x.shape
    total = b * s
    assert total % (NW * CHUNK) == 0
    n_chunks = total // (NW * CHUNK)
    x_r = x.reshape(NW, n_chunks, CHUNK)
    out = _gather_flat(x_r, pe)
    return out.reshape(b, s, pe.shape[1])

# --- scband reference (transcript-rebuilt; emitter-appended) ---
"""Pipeline reference for scband-positional-encoding-73572789781057 (READ-ONLY COPY).

The authoritative reference and input builder live on the scoring server;
editing this copy changes nothing except your own understanding.
"""

import jax, jax.numpy as jnp
import numpy as np
import math

D_MODEL = 128
MAX_LEN = 8192
BATCH = 1024
SEQ = 200


def make_pe(d_model=D_MODEL, max_len=MAX_LEN):
    position = np.arange(max_len, dtype=np.float32)[:, None]
    div_term = np.exp(np.arange(0, d_model, 2, dtype=np.float32) * (-math.log(10000.0) / d_model))
    pe = np.zeros((max_len, d_model), dtype=np.float32)
    pe[:, 0::2] = np.sin(position * div_term)
    pe[:, 1::2] = np.cos(position * div_term)
    return jnp.asarray(pe)


def setup_inputs(seed: int = 0) -> dict:
    key = jax.random.key(seed)
    x = jax.random.randint(key, (BATCH, SEQ), 0, MAX_LEN, dtype=jnp.int32)
    pe = make_pe()
    return {"x": x, "pe": pe}


def reference(x, pe):
    # self.pe[x] -> gather rows of the positional table
    return jnp.take(pe, x, axis=0)

if __name__ == "__main__":
    import jax
    _d = setup_inputs()
    print(jax.jit(kernel)(*tuple(_d.values())))

</pallas_src>

<mosaic_0001>
#map = affine_map<(d0, d1) -> (0, 0, 0)>
#map1 = affine_map<(d0, d1) -> (0, 0)>
#map2 = affine_map<(d0, d1) -> (0, 0, 0, 0)>
module attributes {stable_mosaic.version = 14 : i64} {
  func.func @k(%arg0: i32, %arg1: i32, %arg2: memref<32x64x100xi32, #tpu.memory_space<hbm>>, %arg3: memref<8192x128xf32, #tpu.memory_space<hbm>>, %arg4: memref<32x64x100x128xf32, #tpu.memory_space<hbm>>, %arg5: memref<64x100xi32, #tpu.memory_space<vmem>>, %arg6: memref<8192x128xf32, #tpu.memory_space<vmem_shared>>, %arg7: memref<100x128xf32, #tpu.memory_space<vmem>>, %arg8: memref<100x128xf32, #tpu.memory_space<vmem>>, %arg9: memref<100x128xf32, #tpu.memory_space<vmem>>, %arg10: memref<100x128xf32, #tpu.memory_space<vmem>>, %arg11: memref<!tpu.dma_semaphore, #tpu.memory_space<semaphore_mem>>, %arg12: memref<!tpu.dma_semaphore, #tpu.memory_space<semaphore_mem>>, %arg13: memref<!tpu.dma_semaphore, #tpu.memory_space<semaphore_mem>>, %arg14: memref<!tpu.dma_semaphore, #tpu.memory_space<semaphore_mem>>, %arg15: memref<!tpu.dma_semaphore, #tpu.memory_space<semaphore_mem>>, %arg16: memref<!tpu.dma_semaphore, #tpu.memory_space<semaphore_mem>>, %arg17: memref<!tpu.dma_semaphore, #tpu.memory_space<semaphore_mem>>, %arg18: memref<!tpu.dma_semaphore, #tpu.memory_space<semaphore_mem>>) attributes {dimension_semantics = [#tpu.dimension_semantics<core_parallel>, #tpu.dimension_semantics<subcore_parallel>], iteration_bounds = array<i64: 2, 16>, scalar_prefetch = 0 : i64, scratch_operands = 14 : i64, tpu.core_type = #tpu.core_type<sc_vector_subcore>, window_params = [{transform_indices = #map}, {transform_indices = #map1}, {transform_indices = #map2}]} {
    %mul3A = arith.constant 2 : i32
    %mul3A_0 = arith.muli %arg1, %mul3A : i32
    %add3A = arith.addi %mul3A_0, %arg0 : i32
    %mul3A_1 = arith.constant 512 : i32
    %mul3A_2 = arith.muli %arg1, %mul3A_1 : i32
    %mul3A_3 = arith.constant 512 : i32
    %mul3A_4 = arith.muli %arg1, %mul3A_3 : i32
    "tpu.region"() ({
      %run_scoped3A = tpu.sem_alloc : memref<!tpu.dma_semaphore, #tpu.memory_space<semaphore_mem>>
      %dma_start3A_71 = arith.constant 0 : i32
      %dma_start3A_72 = tpu.memref_slice %arg6[%mul3A_4, %dma_start3A_71] : memref<8192x128xf32, #tpu.memory_space<vmem_shared>> -> memref<512x128xf32, #tpu.memory_space<vmem_shared>>
      %dma_start3A_73 = arith.constant 0 : i32
      %dma_start3A_74 = tpu.memref_slice %arg3[%mul3A_2, %dma_start3A_73] : memref<8192x128xf32, #tpu.memory_space<hbm>> -> memref<512x128xf32, #tpu.memory_space<hbm>>
      tpu.enqueue_dma source(%dma_start3A_74 : memref<512x128xf32, #tpu.memory_space<hbm>>) target(%dma_start3A_72 : memref<512x128xf32, #tpu.memory_space<vmem_shared>>) target_semaphore(%run_scoped3A : memref<!tpu.dma_semaphore, #tpu.memory_space<semaphore_mem>>)
      %dma_wait3A_75 = arith.constant 0 : i32
      %dma_wait3A_76 = tpu.memref_slice %arg6[%mul3A_4, %dma_wait3A_75] : memref<8192x128xf32, #tpu.memory_space<vmem_shared>> -> memref<512x128xf32, #tpu.memory_space<vmem_shared>>
      %dma_wait3A_77 = arith.constant 0 : i32
      %dma_wait3A_78 = tpu.memref_slice %arg3[%mul3A_2, %dma_wait3A_77] : memref<8192x128xf32, #tpu.memory_space<hbm>> -> memref<512x128xf32, #tpu.memory_space<hbm>>
      tpu.wait_dma2 semaphore(%run_scoped3A : memref<!tpu.dma_semaphore, #tpu.memory_space<semaphore_mem>>) src(%dma_wait3A_78 : memref<512x128xf32, #tpu.memory_space<hbm>>) dst(%dma_wait3A_76 : memref<512x128xf32, #tpu.memory_space<vmem_shared>>)
      tpu.yield
    }) : () -> ()
    "tpu.region"() ({
      %run_scoped3A = tpu.sem_alloc : memref<!tpu.dma_semaphore, #tpu.memory_space<semaphore_mem>>
      %dma_start3A_71 = arith.constant 0 : i32
      %dma_start3A_72 = arith.constant 0 : i32
      %dma_start3A_73 = tpu.memref_slice %arg2[%add3A, %dma_start3A_71, %dma_start3A_72] : memref<32x64x100xi32, #tpu.memory_space<hbm>> -> memref<1x64x100xi32, #tpu.memory_space<hbm>>
      %dma_start3A_74 = tpu.memref_squeeze %dma_start3A_73 : memref<1x64x100xi32, #tpu.memory_space<hbm>> -> memref<64x100xi32, #tpu.memory_space<hbm>>
      %dma_start3A_75 = arith.constant 0 : i32
      %dma_start3A_76 = arith.constant 0 : i32
      %dma_start3A_77 = tpu.memref_slice %arg2[%add3A, %dma_start3A_75, %dma_start3A_76] : memref<32x64x100xi32, #tpu.memory_space<hbm>> -> memref<1x64x100xi32, #tpu.memory_space<hbm>>
      %dma_start3A_78 = tpu.memref_squeeze %dma_start3A_77 : memref<1x64x100xi32, #tpu.memory_space<hbm>> -> memref<64x100xi32, #tpu.memory_space<hbm>>
      tpu.enqueue_dma source(%dma_start3A_78 : memref<64x100xi32, #tpu.memory_space<hbm>>) target(%arg5 : memref<64x100xi32, #tpu.memory_space<vmem>>) target_semaphore(%run_scoped3A : memref<!tpu.dma_semaphore, #tpu.memory_space<semaphore_mem>>)
      %dma_wait3A_79 = arith.constant 0 : i32
      %dma_wait3A_80 = arith.constant 0 : i32
      %dma_wait3A_81 = tpu.memref_slice %arg2[%add3A, %dma_wait3A_79, %dma_wait3A_80] : memref<32x64x100xi32, #tpu.memory_space<hbm>> -> memref<1x64x100xi32, #tpu.memory_space<hbm>>
      %dma_wait3A_82 = tpu.memref_squeeze %dma_wait3A_81 : memref<1x64x100xi32, #tpu.memory_space<hbm>> -> memref<64x100xi32, #tpu.memory_space<hbm>>
      %dma_wait3A_83 = arith.constant 0 : i32
      %dma_wait3A_84 = arith.constant 0 : i32
      %dma_wait3A_85 = tpu.memref_slice %arg2[%add3A, %dma_wait3A_83, %dma_wait3A_84] : memref<32x64x100xi32, #tpu.memory_space<hbm>> -> memref<1x64x100xi32, #tpu.memory_space<hbm>>
      %dma_wait3A_86 = tpu.memref_squeeze %dma_wait3A_85 : memref<1x64x100xi32, #tpu.memory_space<hbm>> -> memref<64x100xi32, #tpu.memory_space<hbm>>
      tpu.wait_dma2 semaphore(%run_scoped3A : memref<!tpu.dma_semaphore, #tpu.memory_space<semaphore_mem>>) src(%dma_wait3A_86 : memref<64x100xi32, #tpu.memory_space<hbm>>) dst(%arg5 : memref<64x100xi32, #tpu.memory_space<vmem>>)
      tpu.yield
    }) : () -> ()
    %barrier3A = arith.constant 0 : index
    tpu.barrier barrier_id(%barrier3A)
    %dma_start3A = arith.constant 0 : i32
    %dma_start3A_5 = arith.constant 0 : i32
    %dma_start3A_6 = tpu.memref_slice %arg5[%dma_start3A, %dma_start3A_5] : memref<64x100xi32, #tpu.memory_space<vmem>> -> memref<1x100xi32, #tpu.memory_space<vmem>>
    %dma_start3A_7 = tpu.memref_squeeze %dma_start3A_6 : memref<1x100xi32, #tpu.memory_space<vmem>> -> memref<100xi32, #tpu.memory_space<vmem>>
    %dma_start3A_8 = arith.constant 0 : i32
    %dma_start3A_9 = arith.constant 0 : i32
    %dma_start3A_10 = tpu.memref_slice %arg6[%dma_start3A_8, %dma_start3A_9] : memref<8192x128xf32, #tpu.memory_space<vmem_shared>> -> memref<8192x128xf32, #tpu.memory_space<vmem_shared>>
    tpu.enqueue_indirect_dma source(%dma_start3A_10 : memref<8192x128xf32, #tpu.memory_space<vmem_shared>>) target(%arg7 : memref<100x128xf32, #tpu.memory_space<vmem>>) offsets(%dma_start3A_7 : memref<100xi32, #tpu.memory_space<vmem>>) semaphore(%arg11 : memref<!tpu.dma_semaphore, #tpu.memory_space<semaphore_mem>>)
    %dma_start3A_11 = arith.constant 1 : i32
    %dma_start3A_12 = arith.constant 0 : i32
    %dma_start3A_13 = tpu.memref_slice %arg5[%dma_start3A_11, %dma_start3A_12] : memref<64x100xi32, #tpu.memory_space<vmem>> -> memref<1x100xi32, #tpu.memory_space<vmem>>
    %dma_start3A_14 = tpu.memref_squeeze %dma_start3A_13 : memref<1x100xi32, #tpu.memory_space<vmem>> -> memref<100xi32, #tpu.memory_space<vmem>>
    %dma_start3A_15 = arith.constant 0 : i32
    %dma_start3A_16 = arith.constant 0 : i32
    %dma_start3A_17 = tpu.memref_slice %arg6[%dma_start3A_15, %dma_start3A_16] : memref<8192x128xf32, #tpu.memory_space<vmem_shared>> -> memref<8192x128xf32, #tpu.memory_space<vmem_shared>>
    tpu.enqueue_indirect_dma source(%dma_start3A_17 : memref<8192x128xf32, #tpu.memory_space<vmem_shared>>) target(%arg8 : memref<100x128xf32, #tpu.memory_space<vmem>>) offsets(%dma_start3A_14 : memref<100xi32, #tpu.memory_space<vmem>>) semaphore(%arg12 : memref<!tpu.dma_semaphore, #tpu.memory_space<semaphore_mem>>)
    %dma_start3A_18 = arith.constant 2 : i32
    %dma_start3A_19 = arith.constant 0 : i32
    %dma_start3A_20 = tpu.memref_slice %arg5[%dma_start3A_18, %dma_start3A_19] : memref<64x100xi32, #tpu.memory_space<vmem>> -> memref<1x100xi32, #tpu.memory_space<vmem>>
    %dma_start3A_21 = tpu.memref_squeeze %dma_start3A_20 : memref<1x100xi32, #tpu.memory_space<vmem>> -> memref<100xi32, #tpu.memory_space<vmem>>
    %dma_start3A_22 = arith.constant 0 : i32
    %dma_start3A_23 = arith.constant 0 : i32
    %dma_start3A_24 = tpu.memref_slice %arg6[%dma_start3A_22, %dma_start3A_23] : memref<8192x128xf32, #tpu.memory_space<vmem_shared>> -> memref<8192x128xf32, #tpu.memory_space<vmem_shared>>
    tpu.enqueue_indirect_dma source(%dma_start3A_24 : memref<8192x128xf32, #tpu.memory_space<vmem_shared>>) target(%arg9 : memref<100x128xf32, #tpu.memory_space<vmem>>) offsets(%dma_start3A_21 : memref<100xi32, #tpu.memory_space<vmem>>) semaphore(%arg13 : memref<!tpu.dma_semaphore, #tpu.memory_space<semaphore_mem>>)
    %dma_start3A_25 = arith.constant 3 : i32
    %dma_start3A_26 = arith.constant 0 : i32
    %dma_start3A_27 = tpu.memref_slice %arg5[%dma_start3A_25, %dma_start3A_26] : memref<64x100xi32, #tpu.memory_space<vmem>> -> memref<1x100xi32, #tpu.memory_space<vmem>>
    %dma_start3A_28 = tpu.memref_squeeze %dma_start3A_27 : memref<1x100xi32, #tpu.memory_space<vmem>> -> memref<100xi32, #tpu.memory_space<vmem>>
    %dma_start3A_29 = arith.constant 0 : i32
    %dma_start3A_30 = arith.constant 0 : i32
    %dma_start3A_31 = tpu.memref_slice %arg6[%dma_start3A_29, %dma_start3A_30] : memref<8192x128xf32, #tpu.memory_space<vmem_shared>> -> memref<8192x128xf32, #tpu.memory_space<vmem_shared>>
    tpu.enqueue_indirect_dma source(%dma_start3A_31 : memref<8192x128xf32, #tpu.memory_space<vmem_shared>>) target(%arg10 : memref<100x128xf32, #tpu.memory_space<vmem>>) offsets(%dma_start3A_28 : memref<100xi32, #tpu.memory_space<vmem>>) semaphore(%arg14 : memref<!tpu.dma_semaphore, #tpu.memory_space<semaphore_mem>>)
    %scan3A = arith.constant 0 : i32
    %scan3A_32 = arith.constant 16 : i32
    %scan3A_33 = arith.addi %scan3A, %scan3A_32 : i32
    %scan3A_34 = arith.constant 1 : i32
    scf.for %scan3A_71 = %scan3A to %scan3A_33 step %scan3A_34  : i32 {
      %mul3A_72 = arith.constant 4 : i32
      %mul3A_73 = arith.muli %scan3A_71, %mul3A_72 : i32
      %add3A_74 = arith.constant 0 : i32
      %add3A_75 = arith.addi %add3A_74, %mul3A_73 : i32
      %add3A_76 = arith.constant 0 : i32
      %add3A_77 = arith.addi %add3A_75, %add3A_76 : i32
      %dma_wait3A_78 = arith.constant 0 : i32
      %dma_wait3A_79 = tpu.memref_slice %arg5[%add3A_77, %dma_wait3A_78] : memref<64x100xi32, #tpu.memory_space<vmem>> -> memref<1x100xi32, #tpu.memory_space<vmem>>
      %dma_wait3A_80 = tpu.memref_squeeze %dma_wait3A_79 : memref<1x100xi32, #tpu.memory_space<vmem>> -> memref<100xi32, #tpu.memory_space<vmem>>
      %dma_wait3A_81 = arith.constant 0 : i32
      %dma_wait3A_82 = arith.constant 0 : i32
      %dma_wait3A_83 = tpu.memref_slice %arg6[%dma_wait3A_81, %dma_wait3A_82] : memref<8192x128xf32, #tpu.memory_space<vmem_shared>> -> memref<8192x128xf32, #tpu.memory_space<vmem_shared>>
      tpu.wait_indirect_dma semaphore(%arg11 : memref<!tpu.dma_semaphore, #tpu.memory_space<semaphore_mem>>) src(%dma_wait3A_83 : memref<8192x128xf32, #tpu.memory_space<vmem_shared>>) dst(%arg7 : memref<100x128xf32, #tpu.memory_space<vmem>>)
      %add3A_84 = arith.constant 0 : i32
      %add3A_85 = arith.addi %add3A_75, %add3A_84 : i32
      %dma_start3A_86 = arith.constant 0 : i32
      %dma_start3A_87 = arith.constant 0 : i32
      %dma_start3A_88 = tpu.memref_slice %arg4[%add3A, %add3A_85, %dma_start3A_86, %dma_start3A_87] : memref<32x64x100x128xf32, #tpu.memory_space<hbm>> -> memref<1x1x100x128xf32, #tpu.memory_space<hbm>>
      %dma_start3A_89 = tpu.memref_squeeze %dma_start3A_88 : memref<1x1x100x128xf32, #tpu.memory_space<hbm>> -> memref<100x128xf32, #tpu.memory_space<hbm>>
      %dma_start3A_90 = arith.constant 0 : i32
      %dma_start3A_91 = arith.constant 0 : i32
      %dma_start3A_92 = tpu.memref_slice %arg4[%add3A, %add3A_85, %dma_start3A_90, %dma_start3A_91] : memref<32x64x100x128xf32, #tpu.memory_space<hbm>> -> memref<1x1x100x128xf32, #tpu.memory_space<hbm>>
      %dma_start3A_93 = tpu.memref_squeeze %dma_start3A_92 : memref<1x1x100x128xf32, #tpu.memory_space<hbm>> -> memref<100x128xf32, #tpu.memory_space<hbm>>
      tpu.enqueue_dma source(%arg7 : memref<100x128xf32, #tpu.memory_space<vmem>>) target(%dma_start3A_93 : memref<100x128xf32, #tpu.memory_space<hbm>>) target_semaphore(%arg15 : memref<!tpu.dma_semaphore, #tpu.memory_space<semaphore_mem>>)
      %add3A_94 = arith.constant 1 : i32
      %add3A_95 = arith.addi %add3A_75, %add3A_94 : i32
      %dma_wait3A_96 = arith.constant 0 : i32
      %dma_wait3A_97 = tpu.memref_slice %arg5[%add3A_95, %dma_wait3A_96] : memref<64x100xi32, #tpu.memory_space<vmem>> -> memref<1x100xi32, #tpu.memory_space<vmem>>
      %dma_wait3A_98 = tpu.memref_squeeze %dma_wait3A_97 : memref<1x100xi32, #tpu.memory_space<vmem>> -> memref<100xi32, #tpu.memory_space<vmem>>
      %dma_wait3A_99 = arith.constant 0 : i32
      %dma_wait3A_100 = arith.constant 0 : i32
      %dma_wait3A_101 = tpu.memref_slice %arg6[%dma_wait3A_99, %dma_wait3A_100] : memref<8192x128xf32, #tpu.memory_space<vmem_shared>> -> memref<8192x128xf32, #tpu.memory_space<vmem_shared>>
      tpu.wait_indirect_dma semaphore(%arg12 : memref<!tpu.dma_semaphore, #tpu.memory_space<semaphore_mem>>) src(%dma_wait3A_101 : memref<8192x128xf32, #tpu.memory_space<vmem_shared>>) dst(%arg8 : memref<100x128xf32, #tpu.memory_space<vmem>>)
      %add3A_102 = arith.constant 1 : i32
      %add3A_103 = arith.addi %add3A_75, %add3A_102 : i32
      %dma_start3A_104 = arith.constant 0 : i32
      %dma_start3A_105 = arith.constant 0 : i32
      %dma_start3A_106 = tpu.memref_slice %arg4[%add3A, %add3A_103, %dma_start3A_104, %dma_start3A_105] : memref<32x64x100x128xf32, #tpu.memory_space<hbm>> -> memref<1x1x100x128xf32, #tpu.memory_space<hbm>>
      %dma_start3A_107 = tpu.memref_squeeze %dma_start3A_106 : memref<1x1x100x128xf32, #tpu.memory_space<hbm>> -> memref<100x128xf32, #tpu.memory_space<hbm>>
      %dma_start3A_108 = arith.constant 0 : i32
      %dma_start3A_109 = arith.constant 0 : i32
      %dma_start3A_110 = tpu.memref_slice %arg4[%add3A, %add3A_103, %dma_start3A_108, %dma_start3A_109] : memref<32x64x100x128xf32, #tpu.memory_space<hbm>> -> memref<1x1x100x128xf32, #tpu.memory_space<hbm>>
      %dma_start3A_111 = tpu.memref_squeeze %dma_start3A_110 : memref<1x1x100x128xf32, #tpu.memory_space<hbm>> -> memref<100x128xf32, #tpu.memory_space<hbm>>
      tpu.enqueue_dma source(%arg8 : memref<100x128xf32, #tpu.memory_space<vmem>>) target(%dma_start3A_111 : memref<100x128xf32, #tpu.memory_space<hbm>>) target_semaphore(%arg16 : memref<!tpu.dma_semaphore, #tpu.memory_space<semaphore_mem>>)
      %add3A_112 = arith.constant 2 : i32
      %add3A_113 = arith.addi %add3A_75, %add3A_112 : i32
      %dma_wait3A_114 = arith.constant 0 : i32
      %dma_wait3A_115 = tpu.memref_slice %arg5[%add3A_113, %dma_wait3A_114] : memref<64x100xi32, #tpu.memory_space<vmem>> -> memref<1x100xi32, #tpu.memory_space<vmem>>
      %dma_wait3A_116 = tpu.memref_squeeze %dma_wait3A_115 : memref<1x100xi32, #tpu.memory_space<vmem>> -> memref<100xi32, #tpu.memory_space<vmem>>
      %dma_wait3A_117 = arith.constant 0 : i32
      %dma_wait3A_118 = arith.constant 0 : i32
      %dma_wait3A_119 = tpu.memref_slice %arg6[%dma_wait3A_117, %dma_wait3A_118] : memref<8192x128xf32, #tpu.memory_space<vmem_shared>> -> memref<8192x128xf32, #tpu.memory_space<vmem_shared>>
      tpu.wait_indirect_dma semaphore(%arg13 : memref<!tpu.dma_semaphore, #tpu.memory_space<semaphore_mem>>) src(%dma_wait3A_119 : memref<8192x128xf32, #tpu.memory_space<vmem_shared>>) dst(%arg9 : memref<100x128xf32, #tpu.memory_space<vmem>>)
      %add3A_120 = arith.constant 2 : i32
      %add3A_121 = arith.addi %add3A_75, %add3A_120 : i32
      %dma_start3A_122 = arith.constant 0 : i32
      %dma_start3A_123 = arith.constant 0 : i32
      %dma_start3A_124 = tpu.memref_slice %arg4[%add3A, %add3A_121, %dma_start3A_122, %dma_start3A_123] : memref<32x64x100x128xf32, #tpu.memory_space<hbm>> -> memref<1x1x100x128xf32, #tpu.memory_space<hbm>>
      %dma_start3A_125 = tpu.memref_squeeze %dma_start3A_124 : memref<1x1x100x128xf32, #tpu.memory_space<hbm>> -> memref<100x128xf32, #tpu.memory_space<hbm>>
      %dma_start3A_126 = arith.constant 0 : i32
      %dma_start3A_127 = arith.constant 0 : i32
      %dma_start3A_128 = tpu.memref_slice %arg4[%add3A, %add3A_121, %dma_start3A_126, %dma_start3A_127] : memref<32x64x100x128xf32, #tpu.memory_space<hbm>> -> memref<1x1x100x128xf32, #tpu.memory_space<hbm>>
      %dma_start3A_129 = tpu.memref_squeeze %dma_start3A_128 : memref<1x1x100x128xf32, #tpu.memory_space<hbm>> -> memref<100x128xf32, #tpu.memory_space<hbm>>
      tpu.enqueue_dma source(%arg9 : memref<100x128xf32, #tpu.memory_space<vmem>>) target(%dma_start3A_129 : memref<100x128xf32, #tpu.memory_space<hbm>>) target_semaphore(%arg17 : memref<!tpu.dma_semaphore, #tpu.memory_space<semaphore_mem>>)
      %add3A_130 = arith.constant 3 : i32
      %add3A_131 = arith.addi %add3A_75, %add3A_130 : i32
      %dma_wait3A_132 = arith.constant 0 : i32
      %dma_wait3A_133 = tpu.memref_slice %arg5[%add3A_131, %dma_wait3A_132] : memref<64x100xi32, #tpu.memory_space<vmem>> -> memref<1x100xi32, #tpu.memory_space<vmem>>
      %dma_wait3A_134 = tpu.memref_squeeze %dma_wait3A_133 : memref<1x100xi32, #tpu.memory_space<vmem>> -> memref<100xi32, #tpu.memory_space<vmem>>
      %dma_wait3A_135 = arith.constant 0 : i32
      %dma_wait3A_136 = arith.constant 0 : i32
      %dma_wait3A_137 = tpu.memref_slice %arg6[%dma_wait3A_135, %dma_wait3A_136] : memref<8192x128xf32, #tpu.memory_space<vmem_shared>> -> memref<8192x128xf32, #tpu.memory_space<vmem_shared>>
      tpu.wait_indirect_dma semaphore(%arg14 : memref<!tpu.dma_semaphore, #tpu.memory_space<semaphore_mem>>) src(%dma_wait3A_137 : memref<8192x128xf32, #tpu.memory_space<vmem_shared>>) dst(%arg10 : memref<100x128xf32, #tpu.memory_space<vmem>>)
      %add3A_138 = arith.constant 3 : i32
      %add3A_139 = arith.addi %add3A_75, %add3A_138 : i32
      %dma_start3A_140 = arith.constant 0 : i32
      %dma_start3A_141 = arith.constant 0 : i32
      %dma_start3A_142 = tpu.memref_slice %arg4[%add3A, %add3A_139, %dma_start3A_140, %dma_start3A_141] : memref<32x64x100x128xf32, #tpu.memory_space<hbm>> -> memref<1x1x100x128xf32, #tpu.memory_space<hbm>>
      %dma_start3A_143 = tpu.memref_squeeze %dma_start3A_142 : memref<1x1x100x128xf32, #tpu.memory_space<hbm>> -> memref<100x128xf32, #tpu.memory_space<hbm>>
      %dma_start3A_144 = arith.constant 0 : i32
      %dma_start3A_145 = arith.constant 0 : i32
      %dma_start3A_146 = tpu.memref_slice %arg4[%add3A, %add3A_139, %dma_start3A_144, %dma_start3A_145] : memref<32x64x100x128xf32, #tpu.memory_space<hbm>> -> memref<1x1x100x128xf32, #tpu.memory_space<hbm>>
      %dma_start3A_147 = tpu.memref_squeeze %dma_start3A_146 : memref<1x1x100x128xf32, #tpu.memory_space<hbm>> -> memref<100x128xf32, #tpu.memory_space<hbm>>
      tpu.enqueue_dma source(%arg10 : memref<100x128xf32, #tpu.memory_space<vmem>>) target(%dma_start3A_147 : memref<100x128xf32, #tpu.memory_space<hbm>>) target_semaphore(%arg18 : memref<!tpu.dma_semaphore, #tpu.memory_space<semaphore_mem>>)
      %add3A_148 = arith.constant 4 : i32
      %add3A_149 = arith.addi %add3A_75, %add3A_148 : i32
      %add3A_150 = arith.constant 0 : i32
      %add3A_151 = arith.addi %add3A_149, %add3A_150 : i32
      %lt3A = arith.constant 64 : i32
      %lt3A_152 = arith.cmpi slt, %add3A_151, %lt3A : i32
      %convert_element_type3A = arith.extui %lt3A_152 : i1 to i32
      %cond3A = arith.constant 0 : i32
      %cond3A_153 = arith.cmpi ne, %convert_element_type3A, %cond3A : i32
      scf.if %cond3A_153 {
        %add3A_181 = arith.constant 0 : i32
        %add3A_182 = arith.addi %add3A_75, %add3A_181 : i32
        %dma_wait3A_183 = arith.constant 0 : i32
        %dma_wait3A_184 = arith.constant 0 : i32
        %dma_wait3A_185 = tpu.memref_slice %arg4[%add3A, %add3A_182, %dma_wait3A_183, %dma_wait3A_184] : memref<32x64x100x128xf32, #tpu.memory_space<hbm>> -> memref<1x1x100x128xf32, #tpu.memory_space<hbm>>
        %dma_wait3A_186 = tpu.memref_squeeze %dma_wait3A_185 : memref<1x1x100x128xf32, #tpu.memory_space<hbm>> -> memref<100x128xf32, #tpu.memory_space<hbm>>
        %dma_wait3A_187 = arith.constant 0 : i32
        %dma_wait3A_188 = arith.constant 0 : i32
        %dma_wait3A_189 = tpu.memref_slice %arg4[%add3A, %add3A_182, %dma_wait3A_187, %dma_wait3A_188] : memref<32x64x100x128xf32, #tpu.memory_space<hbm>> -> memref<1x1x100x128xf32, #tpu.memory_space<hbm>>
        %dma_wait3A_190 = tpu.memref_squeeze %dma_wait3A_189 : memref<1x1x100x128xf32, #tpu.memory_space<hbm>> -> memref<100x128xf32, #tpu.memory_space<hbm>>
        tpu.wait_dma2 semaphore(%arg15 : memref<!tpu.dma_semaphore, #tpu.memory_space<semaphore_mem>>) src(%arg7 : memref<100x128xf32, #tpu.memory_space<vmem>>) dst(%dma_wait3A_190 : memref<100x128xf32, #tpu.memory_space<hbm>>)
        %add3A_191 = arith.constant 4 : i32
        %add3A_192 = arith.addi %add3A_75, %add3A_191 : i32
        %add3A_193 = arith.constant 0 : i32
        %add3A_194 = arith.addi %add3A_192, %add3A_193 : i32
        %dma_start3A_195 = arith.constant 0 : i32
        %dma_start3A_196 = tpu.memref_slice %arg5[%add3A_194, %dma_start3A_195] : memref<64x100xi32, #tpu.memory_space<vmem>> -> memref<1x100xi32, #tpu.memory_space<vmem>>
        %dma_start3A_197 = tpu.memref_squeeze %dma_start3A_196 : memref<1x100xi32, #tpu.memory_space<vmem>> -> memref<100xi32, #tpu.memory_space<vmem>>
        %dma_start3A_198 = arith.constant 0 : i32
        %dma_start3A_199 = arith.constant 0 : i32
        %dma_start3A_200 = tpu.memref_slice %arg6[%dma_start3A_198, %dma_start3A_199] : memref<8192x128xf32, #tpu.memory_space<vmem_shared>> -> memref<8192x128xf32, #tpu.memory_space<vmem_shared>>
        tpu.enqueue_indirect_dma source(%dma_start3A_200 : memref<8192x128xf32, #tpu.memory_space<vmem_shared>>) target(%arg7 : memref<100x128xf32, #tpu.memory_space<vmem>>) offsets(%dma_start3A_197 : memref<100xi32, #tpu.memory_space<vmem>>) semaphore(%arg11 : memref<!tpu.dma_semaphore, #tpu.memory_space<semaphore_mem>>)
      } else {
      }
      %add3A_154 = arith.constant 4 : i32
      %add3A_155 = arith.addi %add3A_75, %add3A_154 : i32
      %add3A_156 = arith.constant 1 : i32
      %add3A_157 = arith.addi %add3A_155, %add3A_156 : i32
      %lt3A_158 = arith.constant 64 : i32
      %lt3A_159 = arith.cmpi slt, %add3A_157, %lt3A_158 : i32
      %convert_element_type3A_160 = arith.extui %lt3A_159 : i1 to i32
      %cond3A_161 = arith.constant 0 : i32
      %cond3A_162 = arith.cmpi ne, %convert_element_type3A_160, %cond3A_161 : i32
      scf.if %cond3A_162 {
        %add3A_181 = arith.constant 1 : i32
        %add3A_182 = arith.addi %add3A_75, %add3A_181 : i32
        %dma_wait3A_183 = arith.constant 0 : i32
        %dma_wait3A_184 = arith.constant 0 : i32
        %dma_wait3A_185 = tpu.memref_slice %arg4[%add3A, %add3A_182, %dma_wait3A_183, %dma_wait3A_184] : memref<32x64x100x128xf32, #tpu.memory_space<hbm>> -> memref<1x1x100x128xf32, #tpu.memory_space<hbm>>
        %dma_wait3A_186 = tpu.memref_squeeze %dma_wait3A_185 : memref<1x1x100x128xf32, #tpu.memory_space<hbm>> -> memref<100x128xf32, #tpu.memory_space<hbm>>
        %dma_wait3A_187 = arith.constant 0 : i32
        %dma_wait3A_188 = arith.constant 0 : i32
        %dma_wait3A_189 = tpu.memref_slice %arg4[%add3A, %add3A_182, %dma_wait3A_187, %dma_wait3A_188] : memref<32x64x100x128xf32, #tpu.memory_space<hbm>> -> memref<1x1x100x128xf32, #tpu.memory_space<hbm>>
        %dma_wait3A_190 = tpu.memref_squeeze %dma_wait3A_189 : memref<1x1x100x128xf32, #tpu.memory_space<hbm>> -> memref<100x128xf32, #tpu.memory_space<hbm>>
        tpu.wait_dma2 semaphore(%arg16 : memref<!tpu.dma_semaphore, #tpu.memory_space<semaphore_mem>>) src(%arg8 : memref<100x128xf32, #tpu.memory_space<vmem>>) dst(%dma_wait3A_190 : memref<100x128xf32, #tpu.memory_space<hbm>>)
        %add3A_191 = arith.constant 4 : i32
        %add3A_192 = arith.addi %add3A_75, %add3A_191 : i32
        %add3A_193 = arith.constant 1 : i32
        %add3A_194 = arith.addi %add3A_192, %add3A_193 : i32
        %dma_start3A_195 = arith.constant 0 : i32
        %dma_start3A_196 = tpu.memref_slice %arg5[%add3A_194, %dma_start3A_195] : memref<64x100xi32, #tpu.memory_space<vmem>> -> memref<1x100xi32, #tpu.memory_space<vmem>>
        %dma_start3A_197 = tpu.memref_squeeze %dma_start3A_196 : memref<1x100xi32, #tpu.memory_space<vmem>> -> memref<100xi32, #tpu.memory_space<vmem>>
        %dma_start3A_198 = arith.constant 0 : i32
        %dma_start3A_199 = arith.constant 0 : i32
        %dma_start3A_200 = tpu.memref_slice %arg6[%dma_start3A_198, %dma_start3A_199] : memref<8192x128xf32, #tpu.memory_space<vmem_shared>> -> memref<8192x128xf32, #tpu.memory_space<vmem_shared>>
        tpu.enqueue_indirect_dma source(%dma_start3A_200 : memref<8192x128xf32, #tpu.memory_space<vmem_shared>>) target(%arg8 : memref<100x128xf32, #tpu.memory_space<vmem>>) offsets(%dma_start3A_197 : memref<100xi32, #tpu.memory_space<vmem>>) semaphore(%arg12 : memref<!tpu.dma_semaphore, #tpu.memory_space<semaphore_mem>>)
      } else {
      }
      %add3A_163 = arith.constant 4 : i32
      %add3A_164 = arith.addi %add3A_75, %add3A_163 : i32
      %add3A_165 = arith.constant 2 : i32
      %add3A_166 = arith.addi %add3A_164, %add3A_165 : i32
      %lt3A_167 = arith.constant 64 : i32
      %lt3A_168 = arith.cmpi slt, %add3A_166, %lt3A_167 : i32
      %convert_element_type3A_169 = arith.extui %lt3A_168 : i1 to i32
      %cond3A_170 = arith.constant 0 : i32
      %cond3A_171 = arith.cmpi ne, %convert_element_type3A_169, %cond3A_170 : i32
      scf.if %cond3A_171 {
        %add3A_181 = arith.constant 2 : i32
        %add3A_182 = arith.addi %add3A_75, %add3A_181 : i32
        %dma_wait3A_183 = arith.constant 0 : i32
        %dma_wait3A_184 = arith.constant 0 : i32
        %dma_wait3A_185 = tpu.memref_slice %arg4[%add3A, %add3A_182, %dma_wait3A_183, %dma_wait3A_184] : memref<32x64x100x128xf32, #tpu.memory_space<hbm>> -> memref<1x1x100x128xf32, #tpu.memory_space<hbm>>
        %dma_wait3A_186 = tpu.memref_squeeze %dma_wait3A_185 : memref<1x1x100x128xf32, #tpu.memory_space<hbm>> -> memref<100x128xf32, #tpu.memory_space<hbm>>
        %dma_wait3A_187 = arith.constant 0 : i32
        %dma_wait3A_188 = arith.constant 0 : i32
        %dma_wait3A_189 = tpu.memref_slice %arg4[%add3A, %add3A_182, %dma_wait3A_187, %dma_wait3A_188] : memref<32x64x100x128xf32, #tpu.memory_space<hbm>> -> memref<1x1x100x128xf32, #tpu.memory_space<hbm>>
        %dma_wait3A_190 = tpu.memref_squeeze %dma_wait3A_189 : memref<1x1x100x128xf32, #tpu.memory_space<hbm>> -> memref<100x128xf32, #tpu.memory_space<hbm>>
        tpu.wait_dma2 semaphore(%arg17 : memref<!tpu.dma_semaphore, #tpu.memory_space<semaphore_mem>>) src(%arg9 : memref<100x128xf32, #tpu.memory_space<vmem>>) dst(%dma_wait3A_190 : memref<100x128xf32, #tpu.memory_space<hbm>>)
        %add3A_191 = arith.constant 4 : i32
        %add3A_192 = arith.addi %add3A_75, %add3A_191 : i32
        %add3A_193 = arith.constant 2 : i32
        %add3A_194 = arith.addi %add3A_192, %add3A_193 : i32
        %dma_start3A_195 = arith.constant 0 : i32
        %dma_start3A_196 = tpu.memref_slice %arg5[%add3A_194, %dma_start3A_195] : memref<64x100xi32, #tpu.memory_space<vmem>> -> memref<1x100xi32, #tpu.memory_space<vmem>>
        %dma_start3A_197 = tpu.memref_squeeze %dma_start3A_196 : memref<1x100xi32, #tpu.memory_space<vmem>> -> memref<100xi32, #tpu.memory_space<vmem>>
        %dma_start3A_198 = arith.constant 0 : i32
        %dma_start3A_199 = arith.constant 0 : i32
        %dma_start3A_200 = tpu.memref_slice %arg6[%dma_start3A_198, %dma_start3A_199] : memref<8192x128xf32, #tpu.memory_space<vmem_shared>> -> memref<8192x128xf32, #tpu.memory_space<vmem_shared>>
        tpu.enqueue_indirect_dma source(%dma_start3A_200 : memref<8192x128xf32, #tpu.memory_space<vmem_shared>>) target(%arg9 : memref<100x128xf32, #tpu.memory_space<vmem>>) offsets(%dma_start3A_197 : memref<100xi32, #tpu.memory_space<vmem>>) semaphore(%arg13 : memref<!tpu.dma_semaphore, #tpu.memory_space<semaphore_mem>>)
      } else {
      }
      %add3A_172 = arith.constant 4 : i32
      %add3A_173 = arith.addi %add3A_75, %add3A_172 : i32
      %add3A_174 = arith.constant 3 : i32
      %add3A_175 = arith.addi %add3A_173, %add3A_174 : i32
      %lt3A_176 = arith.constant 64 : i32
      %lt3A_177 = arith.cmpi slt, %add3A_175, %lt3A_176 : i32
      %convert_element_type3A_178 = arith.extui %lt3A_177 : i1 to i32
      %cond3A_179 = arith.constant 0 : i32
      %cond3A_180 = arith.cmpi ne, %convert_element_type3A_178, %cond3A_179 : i32
      scf.if %cond3A_180 {
        %add3A_181 = arith.constant 3 : i32
        %add3A_182 = arith.addi %add3A_75, %add3A_181 : i32
        %dma_wait3A_183 = arith.constant 0 : i32
        %dma_wait3A_184 = arith.constant 0 : i32
        %dma_wait3A_185 = tpu.memref_slice %arg4[%add3A, %add3A_182, %dma_wait3A_183, %dma_wait3A_184] : memref<32x64x100x128xf32, #tpu.memory_space<hbm>> -> memref<1x1x100x128xf32, #tpu.memory_space<hbm>>
        %dma_wait3A_186 = tpu.memref_squeeze %dma_wait3A_185 : memref<1x1x100x128xf32, #tpu.memory_space<hbm>> -> memref<100x128xf32, #tpu.memory_space<hbm>>
        %dma_wait3A_187 = arith.constant 0 : i32
        %dma_wait3A_188 = arith.constant 0 : i32
        %dma_wait3A_189 = tpu.memref_slice %arg4[%add3A, %add3A_182, %dma_wait3A_187, %dma_wait3A_188] : memref<32x64x100x128xf32, #tpu.memory_space<hbm>> -> memref<1x1x100x128xf32, #tpu.memory_space<hbm>>
        %dma_wait3A_190 = tpu.memref_squeeze %dma_wait3A_189 : memref<1x1x100x128xf32, #tpu.memory_space<hbm>> -> memref<100x128xf32, #tpu.memory_space<hbm>>
        tpu.wait_dma2 semaphore(%arg18 : memref<!tpu.dma_semaphore, #tpu.memory_space<semaphore_mem>>) src(%arg10 : memref<100x128xf32, #tpu.memory_space<vmem>>) dst(%dma_wait3A_190 : memref<100x128xf32, #tpu.memory_space<hbm>>)
        %add3A_191 = arith.constant 4 : i32
        %add3A_192 = arith.addi %add3A_75, %add3A_191 : i32
        %add3A_193 = arith.constant 3 : i32
        %add3A_194 = arith.addi %add3A_192, %add3A_193 : i32
        %dma_start3A_195 = arith.constant 0 : i32
        %dma_start3A_196 = tpu.memref_slice %arg5[%add3A_194, %dma_start3A_195] : memref<64x100xi32, #tpu.memory_space<vmem>> -> memref<1x100xi32, #tpu.memory_space<vmem>>
        %dma_start3A_197 = tpu.memref_squeeze %dma_start3A_196 : memref<1x100xi32, #tpu.memory_space<vmem>> -> memref<100xi32, #tpu.memory_space<vmem>>
        %dma_start3A_198 = arith.constant 0 : i32
        %dma_start3A_199 = arith.constant 0 : i32
        %dma_start3A_200 = tpu.memref_slice %arg6[%dma_start3A_198, %dma_start3A_199] : memref<8192x128xf32, #tpu.memory_space<vmem_shared>> -> memref<8192x128xf32, #tpu.memory_space<vmem_shared>>
        tpu.enqueue_indirect_dma source(%dma_start3A_200 : memref<8192x128xf32, #tpu.memory_space<vmem_shared>>) target(%arg10 : memref<100x128xf32, #tpu.memory_space<vmem>>) offsets(%dma_start3A_197 : memref<100xi32, #tpu.memory_space<vmem>>) semaphore(%arg14 : memref<!tpu.dma_semaphore, #tpu.memory_space<semaphore_mem>>)
      } else {
      }
    }
    %scan3A_35 = arith.constant 16 : i32
    %dma_wait3A = arith.constant 60 : i32
    %dma_wait3A_36 = arith.constant 0 : i32
    %dma_wait3A_37 = arith.constant 0 : i32
    %dma_wait3A_38 = tpu.memref_slice %arg4[%add3A, %dma_wait3A, %dma_wait3A_36, %dma_wait3A_37] : memref<32x64x100x128xf32, #tpu.memory_space<hbm>> -> memref<1x1x100x128xf32, #tpu.memory_space<hbm>>
    %dma_wait3A_39 = tpu.memref_squeeze %dma_wait3A_38 : memref<1x1x100x128xf32, #tpu.memory_space<hbm>> -> memref<100x128xf32, #tpu.memory_space<hbm>>
    %dma_wait3A_40 = arith.constant 0 : i32
    %dma_wait3A_41 = arith.constant 0 : i32
    %dma_wait3A_42 = tpu.memref_slice %arg4[%add3A, %dma_wait3A, %dma_wait3A_40, %dma_wait3A_41] : memref<32x64x100x128xf32, #tpu.memory_space<hbm>> -> memref<1x1x100x128xf32, #tpu.memory_space<hbm>>
    %dma_wait3A_43 = tpu.memref_squeeze %dma_wait3A_42 : memref<1x1x100x128xf32, #tpu.memory_space<hbm>> -> memref<100x128xf32, #tpu.memory_space<hbm>>
    tpu.wait_dma2 semaphore(%arg15 : memref<!tpu.dma_semaphore, #tpu.memory_space<semaphore_mem>>) src(%arg7 : memref<100x128xf32, #tpu.memory_space<vmem>>) dst(%dma_wait3A_43 : memref<100x128xf32, #tpu.memory_space<hbm>>)
    %dma_wait3A_44 = arith.constant 61 : i32
    %dma_wait3A_45 = arith.constant 0 : i32
    %dma_wait3A_46 = arith.constant 0 : i32
    %dma_wait3A_47 = tpu.memref_slice %arg4[%add3A, %dma_wait3A_44, %dma_wait3A_45, %dma_wait3A_46] : memref<32x64x100x128xf32, #tpu.memory_space<hbm>> -> memref<1x1x100x128xf32, #tpu.memory_space<hbm>>
    %dma_wait3A_48 = tpu.memref_squeeze %dma_wait3A_47 : memref<1x1x100x128xf32, #tpu.memory_space<hbm>> -> memref<100x128xf32, #tpu.memory_space<hbm>>
    %dma_wait3A_49 = arith.constant 0 : i32
    %dma_wait3A_50 = arith.constant 0 : i32
    %dma_wait3A_51 = tpu.memref_slice %arg4[%add3A, %dma_wait3A_44, %dma_wait3A_49, %dma_wait3A_50] : memref<32x64x100x128xf32, #tpu.memory_space<hbm>> -> memref<1x1x100x128xf32, #tpu.memory_space<hbm>>
    %dma_wait3A_52 = tpu.memref_squeeze %dma_wait3A_51 : memref<1x1x100x128xf32, #tpu.memory_space<hbm>> -> memref<100x128xf32, #tpu.memory_space<hbm>>
    tpu.wait_dma2 semaphore(%arg16 : memref<!tpu.dma_semaphore, #tpu.memory_space<semaphore_mem>>) src(%arg8 : memref<100x128xf32, #tpu.memory_space<vmem>>) dst(%dma_wait3A_52 : memref<100x128xf32, #tpu.memory_space<hbm>>)
    %dma_wait3A_53 = arith.constant 62 : i32
    %dma_wait3A_54 = arith.constant 0 : i32
    %dma_wait3A_55 = arith.constant 0 : i32
    %dma_wait3A_56 = tpu.memref_slice %arg4[%add3A, %dma_wait3A_53, %dma_wait3A_54, %dma_wait3A_55] : memref<32x64x100x128xf32, #tpu.memory_space<hbm>> -> memref<1x1x100x128xf32, #tpu.memory_space<hbm>>
    %dma_wait3A_57 = tpu.memref_squeeze %dma_wait3A_56 : memref<1x1x100x128xf32, #tpu.memory_space<hbm>> -> memref<100x128xf32, #tpu.memory_space<hbm>>
    %dma_wait3A_58 = arith.constant 0 : i32
    %dma_wait3A_59 = arith.constant 0 : i32
    %dma_wait3A_60 = tpu.memref_slice %arg4[%add3A, %dma_wait3A_53, %dma_wait3A_58, %dma_wait3A_59] : memref<32x64x100x128xf32, #tpu.memory_space<hbm>> -> memref<1x1x100x128xf32, #tpu.memory_space<hbm>>
    %dma_wait3A_61 = tpu.memref_squeeze %dma_wait3A_60 : memref<1x1x100x128xf32, #tpu.memory_space<hbm>> -> memref<100x128xf32, #tpu.memory_space<hbm>>
    tpu.wait_dma2 semaphore(%arg17 : memref<!tpu.dma_semaphore, #tpu.memory_space<semaphore_mem>>) src(%arg9 : memref<100x128xf32, #tpu.memory_space<vmem>>) dst(%dma_wait3A_61 : memref<100x128xf32, #tpu.memory_space<hbm>>)
    %dma_wait3A_62 = arith.constant 63 : i32
    %dma_wait3A_63 = arith.constant 0 : i32
    %dma_wait3A_64 = arith.constant 0 : i32
    %dma_wait3A_65 = tpu.memref_slice %arg4[%add3A, %dma_wait3A_62, %dma_wait3A_63, %dma_wait3A_64] : memref<32x64x100x128xf32, #tpu.memory_space<hbm>> -> memref<1x1x100x128xf32, #tpu.memory_space<hbm>>
    %dma_wait3A_66 = tpu.memref_squeeze %dma_wait3A_65 : memref<1x1x100x128xf32, #tpu.memory_space<hbm>> -> memref<100x128xf32, #tpu.memory_space<hbm>>
    %dma_wait3A_67 = arith.constant 0 : i32
    %dma_wait3A_68 = arith.constant 0 : i32
    %dma_wait3A_69 = tpu.memref_slice %arg4[%add3A, %dma_wait3A_62, %dma_wait3A_67, %dma_wait3A_68] : memref<32x64x100x128xf32, #tpu.memory_space<hbm>> -> memref<1x1x100x128xf32, #tpu.memory_space<hbm>>
    %dma_wait3A_70 = tpu.memref_squeeze %dma_wait3A_69 : memref<1x1x100x128xf32, #tpu.memory_space<hbm>> -> memref<100x128xf32, #tpu.memory_space<hbm>>
    tpu.wait_dma2 semaphore(%arg18 : memref<!tpu.dma_semaphore, #tpu.memory_space<semaphore_mem>>) src(%arg10 : memref<100x128xf32, #tpu.memory_space<vmem>>) dst(%dma_wait3A_70 : memref<100x128xf32, #tpu.memory_space<hbm>>)
    return
  }
}

</mosaic_0001>

<sc_bundles>
// kernel: _gather_flat.3.cloned.1.call-start
scs
__scs_entry_jumppad:
0x0: {  	(pc) =	sbr.rel $0x88, $3  }
0x1: {  	(tag) =	ssettag $0x0;
	lr =	simm.s32 $0x1  }
0x2: {  	[smem:$0x3F9F] =	sst lr;
	_ =	strace $0xD0000000  }
0x3: {  	_ = 	snop  }
0x4: {  	_ = 	snop  }
0x5: {  	_ = 	snop  }
0x6: {  	_ = 	snop  }
0x7: {  	_ = 	snop  }
__scs_overlays_trampoline_lowered:
0x8: {  	[smem:$0x3FAE] =	sst s0  }
0x9: {  	[smem:$0x3FAF] =	sst s1  }
0xa: {  	[smem:$0x3FB0] =	sst s2  }
0xb: {  	[smem:$0x3FB1] =	sst s3  }
0xc: {  	[smem:$0x3FB2] =	sst s4  }
0xd: {  	[smem:$0x3FB3] =	sst s5  }
0xe: {  	[smem:$0x3FB4] =	sst s6  }
0xf: {  	[smem:$0x3FB5] =	sst s7  }
0x10: {  	[smem:$0x3FB6] =	sst s8  }
0x11: {  	[smem:$0x3FB7] =	sst s9;
	s0 =	simm.s32 @!p0 $0x0  }
0x12: {  	s1 =	sld [smem:$0x3F9D];
	s0 =	simm.s32 @p0 $0x1  }
0x13: {  	[smem:$0x3FB8] =	sst s0;
	s0 =	simm.s32 @!p1 $0x0  }
0x14: {  	s2 =	sld [smem:$0x3F9C];
	s0 =	simm.s32 @p1 $0x1  }
0x15: {  	[smem:$0x3FB9] =	sst s0;
	s0 =	simm.s32 @!p2 $0x0  }
0x16: {  	s3 =	sld [smem:$0x3FDB];
	s0 =	simm.s32 @p2 $0x1  }
0x17: {  	s4 =	simm.s32 $0x1BF5;
	[smem:$0x3FBB] =	sst s0  }
0x18: {  	s0 =	sld [smem:$0x3F9E];
	_ =	swait.ge [sflag:s4], $0x0  }
0x19: {  	s7 =	sld [smem:$0x3F9F]  }
0x1a: {  	s8 =	sadd.s32 $0xFFFFE003, lr  }
0x1b: {  	s9 =	sadd.s32 $0xFFFFFEF7, lr;
	s5 =	simm.s32 $0xFFFFFFFF;
	p2 =	slt.u32 s8, $0xFFFFF086  }
0x1c: {  	p1 =	slt.u32 s9, $0xF7A;
	s5 =	simm.s32 @!p2 $0x0  }
0x1d: {  	s5 =	simm.s32 @p1 $0x1;
	p0 =	seq.s32 s7, s2  }
0x1e: {  	s7 =	smul.u32 @!p0 $0xF7A, s2;
	p2 =	seq.s32 @!p0 s5, $0x0  }
0x1f: {  	s9 =	smul.u32 $0xF7A, s1;
	s8 =	simm.s32 @!p0 $0x1BF5;
	p2 =	por !p2, p0  }
0x20: {  	[sflag:s8] =	ssyncset.s32 @!p0 $0xFFFFF086;
	s6 =	sadd.s32 @!p0 s3, s7;
	s7 =	simm.s32 @!p0 $0x108  }
0x21: {  	s3 =	sadd.s32 s3, s9;
	s6 =	sadd.s32 @!p0 $0x88, s6;
	s7 =	simm.s32 @p2 $0x1082  }
0x22: {  	[simem:s7], [sflag:s8] =	dma.local @!p0 [hbm:s6], $0xF7A  }
0x23: {  	s9 =	sor.u32 $0xD0000000, s2;
	s6 =	simm.s32 $0x108;
	_ =	swait.ge @!p0 [sflag:s8], $0x0  }
0x24: {  	s3 =	sadd.s32 $0x88, s3;
	s6 =	simm.s32 @!p1 $0x1082;
	[sflag:s4] =	ssyncset.s32 $0xFFFFF086  }
0x25: {  	[simem:s6], [sflag:s4] =	dma.local [hbm:s3], $0xF7A  }
0x26: {  	[smem:$0x3F9F] =	sst s1;
	(tag) =	ssettag s2;
	_ =	strace s9  }
0x27: {  	s1 =	sld [smem:$0x3FAF]  }
0x28: {  	s2 =	sld [smem:$0x3FB0]  }
0x29: {  	s4 =	sld [smem:$0x3FB2]  }
0x2a: {  	p0 =	seq.s32 s5, $0x0;
	s5 =	sld [smem:$0x3FB3]  }
0x2b: {  	s6 =	sld [smem:$0x3FB4]  }
0x2c: {  	s7 =	sld [smem:$0x3FB5]  }
0x2d: {  	s3 =	simm.s32 $0x108;
	s8 =	sld [smem:$0x3FB6]  }
0x2e: {  	s3 =	simm.s32 @!p0 $0x1082;
	s9 =	sld [smem:$0x3FB7]  }
0x2f: {  	lr =	sadd.s32 s0, s3;
	s0 =	sld [smem:$0x3FAE]  }
0x30: {  	s3 =	sld [smem:$0x3FB1]  }
0x31: {  	[smem:$0x3FBA] =	sst s10  }
0x32: {  	s10 =	sld [smem:$0x3FB8];
	_ =	sdelay $0x3  }
0x33: {  	p0 =	seq.s32 s10, $0x1;
	s10 =	sld [smem:$0x3FBA];
	_ =	sdelay $0x3  }
0x34: {  	[smem:$0x3FBA] =	sst s10  }
0x35: {  	s10 =	sld [smem:$0x3FB9];
	_ =	sdelay $0x3  }
0x36: {  	p1 =	seq.s32 s10, $0x1;
	s10 =	sld [smem:$0x3FBA];
	_ =	sdelay $0x3  }
0x37: {  	[smem:$0x3FBA] =	sst s10  }
0x38: {  	s10 =	sld [smem:$0x3FBB]  }
0x39: {  	_ = 	snop;
	(pc) =	sbr.ind lr, $3  }
0x3a: {  	_ = 	snop  }
0x3b: {  	_ = 	snop  }
0x3c: {  	p2 =	seq.s32 s10, $0x1;
	s10 =	sld [smem:$0x3FBA]  }
0x3d: {  	_ =	shalt  }
0x3e: {  	_ =	shalt  }
0x3f: {  	_ =	shalt  }
0x40: {  	_ =	shalt  }
0x41: {  	_ =	shalt  }
0x42: {  	_ =	shalt  }
0x43: {  	_ =	shalt  }
0x44: {  	_ =	shalt  }
0x45: {  	_ =	shalt  }
0x46: {  	_ =	shalt  }
0x47: {  	_ =	shalt  }
0x48: {  	_ =	shalt  }
0x49: {  	_ =	shalt  }
0x4a: {  	_ =	shalt  }
0x4b: {  	_ =	shalt  }
0x4c: {  	_ =	shalt  }
0x4d: {  	_ =	shalt  }
0x4e: {  	_ =	shalt  }
0x4f: {  	_ =	shalt  }
0x50: {  	_ =	shalt  }
0x51: {  	_ =	shalt  }
0x52: {  	_ =	shalt  }
0x53: {  	_ =	shalt  }
0x54: {  	_ =	shalt  }
0x55: {  	_ =	shalt  }
0x56: {  	_ =	shalt  }
0x57: {  	_ =	shalt  }
0x58: {  	_ =	shalt  }
0x59: {  	_ =	shalt  }
0x5a: {  	_ =	shalt  }
0x5b: {  	_ =	shalt  }
0x5c: {  	_ =	shalt  }
0x5d: {  	_ =	shalt  }
0x5e: {  	_ =	shalt  }
0x5f: {  	_ =	shalt  }
0x60: {  	_ =	shalt  }
0x61: {  	_ =	shalt  }
0x62: {  	_ =	shalt  }
0x63: {  	_ =	shalt  }
0x64: {  	_ =	shalt  }
0x65: {  	_ =	shalt  }
0x66: {  	_ =	shalt  }
0x67: {  	_ =	shalt  }
0x68: {  	_ =	shalt  }
0x69: {  	_ =	shalt  }
0x6a: {  	_ =	shalt  }
0x6b: {  	_ =	shalt  }
0x6c: {  	_ =	shalt  }
0x6d: {  	_ =	shalt  }
0x6e: {  	_ =	shalt  }
0x6f: {  	_ =	shalt  }
0x70: {  	_ =	shalt  }
0x71: {  	_ =	shalt  }
0x72: {  	_ =	shalt  }
0x73: {  	_ =	shalt  }
0x74: {  	_ =	shalt  }
0x75: {  	_ =	shalt  }
0x76: {  	_ =	shalt  }
0x77: {  	_ =	shalt  }
0x78: {  	_ =	shalt  }
0x79: {  	_ =	shalt  }
0x7a: {  	_ =	shalt  }
0x7b: {  	_ =	shalt  }
0x7c: {  	_ =	shalt  }
0x7d: {  	_ =	shalt  }
0x7e: {  	_ =	shalt  }
0x7f: {  	_ =	shalt  }
0x80: {  	_ =	shalt  }
0x81: {  	_ =	shalt  }
0x82: {  	_ =	shalt  }
0x83: {  	_ =	shalt  }
0x84: {  	_ =	shalt  }
0x85: {  	_ =	shalt  }
0x86: {  	_ =	shalt  }
0x87: {  	_ =	shalt  }
.Lfunc_end0:
.L_simem_size_0:
called_computation_lowered:
.L_overlay_start_0:
0x88: {  	s2 =	sld [smem:$0x3FD9]  }
0x89: {  	s3 =	sld [smem:$0x3FFE];
	_ =	sdelay $0x1  }
0x8a: {  	s1 =	srdreg.scid  }
0x8b: {  	s0 =	sand.u32 $0x1, s1  }
0x8c: {  	s17 =	sshll.u32 s0, $0xA;
	s2 =	sadd.s32 s3, s2  }
0x8d: {  	s2 =	sadd.s32 s2, s17  }
0x8e: {  	[smem:$0x3FC6] =	sst s2  }
0x8f: {  	_ = 	snop  }
0x90: {  	s2 =	sld [smem:$0x3FC9]  }
0x91: {  	s18 =	sld [smem:$0x3FC8];
	(tm) =	ssettm $0x1  }
0x92: {  	s4 =	sld [smem:$0x3FFB];
	_ =	sdelay $0x3  }
0x93: {  	_ =	strace s4  }
0x94: {  	s4 =	sld [smem:$0x3FFC];
	_ =	sdelay $0x3  }
0x95: {  	_ =	strace s4  }
0x96: {  	s4 =	sld [smem:$0x3FFD];
	_ =	sdelay $0x3  }
0x97: {  	_ =	strace s4  }
0x98: {  	_ =	strace $0x8FFFFFFF  }
0x99: {  	s19 =	sld [smem:$0x3FDB];
	_ =	sdelay $0x1  }
0x9a: {  	s5 =	simm.s32 $_scs_section_size  }
0x9b: {  	s6 =	simm.s32 $_size__tile_overlayer_lowered;
	s7 =	simm.s32 $_tile_overlayer_lowered  }
0x9c: {  	s22 =	simm.s32 $0x1BFF;
	s21 =	sshll.u32 s7, $0x1;
	s4 =	sadd.s32 s5, s19  }
0x9d: {  	s8 =	simm.s32 $0x0;
	s20 =	sshll.u32 s6, $0x1;
	s6 =	sadd.s32 s21, s4  }
0x9e: {  	[timem:s8], [sflag:s22] =	dma.local [hbm:s6], s20  }
0x9f: {  	_ =	swait.ge [sflag:s22], s20  }
0xa0: {  	s5 =	ssub.s32 $0x0, s20;
	[sflag:s22] =	ssyncset.done $0x0  }
0xa1: {  	[sflag:s22] =	ssyncadd.s32 s5;
	_ =	sdelay $0x1  }
0xa2: {  	s23 =	simm.s32 $0x1B8B  }
0xa3: {  	_ =	swait.ge [sflag:s23], $0x1  }
0xa4: {  	[sflag:s23] =	ssyncset.done $0x0  }
0xa5: {  	s25 =	simm.s32 $0x1B8E;
	s24 =	sld [smem:$0x3FFE];
	[sflag:s23] =	ssyncadd.s32 $0xFFFFFFFF  }
0xa6: {  	s26 =	simm.s32 $execute0_lowered;
	[smem:$0x3FD2] =	sst s25  }
0xa7: {  	s6 =	sshll.u32 s26, $0x1;
	_ =	strace $0x80000046;
	[dreg:$0x1] =	wrdreg $0xFFFFFFFF  }
0xa8: {  	s28 =	simm.s32 $_size_execute0_lowered;
	s4 =	sadd.s32 s4, s6;
	[dreg:$0x0] =	wrdreg $0x0  }
0xa9: {  	s6 =	sshll.u32 s28, $0x1;
	[dreg:$0x2] =	wrdreg s4  }
0xaa: {  	[dreg:$0x3] =	wrdreg s6  }
0xab: {  	[dreg:$0x4] =	wrdreg $0xC0  }
0xac: {  	_ =	task [dreg:s8], $0x5FFFF  }
0xad: {  	[dreg:$0x1] =	wrdreg $0xFFFFFFFF  }
0xae: {  	[dreg:$0x0] =	wrdreg $0x60  }
0xaf: {  	[dreg:$0x2] =	wrdreg s2  }
0xb0: {  	[dreg:$0x3] =	wrdreg s18  }
0xb1: {  	[dreg:$0x4] =	wrdreg s24  }
0xb2: {  	[dreg:$0x5] =	wrdreg $0x20000  }
0xb3: {  	[dreg:$0x6] =	wrdreg $0x9  }
0xb4: {  	_ =	task.clear_ibuf [dreg:s8], $0x7FFFF;
	_ =	strace $0x90000046  }
0xb5: {  	s29 =	simm.s32 $0x9;
	_ =	strace $0x80000048  }
0xb6: {  	_ =	swait.ge [sflag:s29], $0x1  }
0xb7: {  	[sflag:s29] =	ssyncadd.s32 $0xFFFFFFFF  }
0xb8: {  	_ =	strace $0x90000048  }
0xb9: {  	_ =	sfence  }
0xba: {  	s30 =	sld [smem:$0x0];
	_ =	sdelay $0x2  }
0xbb: {  	s31 =	sshll.u32 s1, $0xD;
	s1 =	sshrl.u32 s1, $0x2  }
0xbc: {  	s3 =	sand.u32 $0x4000, s31;
	s1 =	sadd.s32 s1, s30  }
0xbd: {  	s0 =	sor.u32 s3, s0;
	s1 =	sshll.u32 s1, $0x11  }
0xbe: {  	s0 =	sor.u32 s1, s0  }
0xbf: {  	s0 =	sadd.s32 $0x8F2B, s0  }
0xc0: {  	[sflag:s0] =	ssyncadd.remote.s32 $0x1  }
0xc1: {  	_ =	sfence.sel $0xFFFF  }
0xc2: {  	[dreg:$0x0] =	wrdreg $0xFFFFFFFF;
	(pc) =	sbr.abs _section_cstart, $3  }
0xc3: {  	[dreg:$0x1] =	wrdreg $0xFFFFFFFF  }
0xc4: {  	_ =	task.clear_ibuf [dreg:s8], $0x2FFFF;
	_ =	strace $0x9FFFFFFF  }
0xc5: {  	(tm) =	ssettm $0x7FFFFFFF  }
tec
execute0_lowered:
.L_overlay_start_1:
0x0: {  	(tag) =	ssettag $0x1  }
0x1: {  	s0 =	rddreg [dreg:$0x0]  }
0x2: {  	s3 =	rddreg [dreg:$0x1]  }
0x3: {  	s4 =	rddreg [dreg:$0x2]  }
0x4: {  	s1 =	rddreg [dreg:$0x3];
	s2 =	simm.s32 $0x0;
	s5 =	srdreg.scid  }
0x5: {  	s10 =	stileid.u32;
	s28 =	simm.s32 $0x2;
	s29 =	simm.s32 $0x3  }
0x6: {  	s30 =	simm.s32 $0x4;
	s31 =	simm.s32 $0x5;
	[smem:$0x7FF] =	sst s2  }
0x7: {  	s5 =	sand.u32 $0x1, s5;
	s4 =	sadd.s32 $0x400, s4;
	s8 =	sshll.u32 s10, $0x1  }
0x8: {  	s14 =	sshll.u32 s10, $0x10;
	s15 =	sshll.u32 s10, $0xD;
	s17 =	sshll.u32 s10, $0x6  }
0x9: {  	s10 =	smul.u32 $0x1A0000, s10;
	_ =	strace $0x80000047;
	s6 =	ssub.s32 $0x2, s5  }
0xa: {  	s13 =	sor.u32 s5, s8;
	s16 =	sadd.s32 s14, s1;
	s5 =	smul.u32 $0xD0000, s5  }
0xb: {  	s3 =	sadd.s32 s3, s15;
	s7 =	sshrl.u32 s6, $0x1;
	s9 =	smul.u32 $0xD0000, s13  }
0xc: {  	[dreg:$0x5] =	wrdreg s3;
	s3 =	sor.u32 $0x1C09, s17;
	s16 =	sshrl.u32 s16, $0x3  }
0xd: {  	s17 =	simm.s32 $0x9;
	s7 =	ssub.s32 s6, s7;
	s6 =	sshll.u32 s13, $0xA  }
0xe: {  	[dreg:$0x6] =	wrdreg s3;
	s21 =	sadd.s32 s5, s10;
	s18 =	sshrl.u32 s9, $0x3  }
0xf: {  	s0 =	sadd.s32 s0, s6;
	s20 =	smax.u32 s7, $0x1;
	s5 =	sor.u32 $0x9C00, s21  }
0x10: {  	s23 =	sor.u32 $0x6800, s21;
	s25 =	sor.u32 $0x3400, s21;
	s3 =	sshrl.u32 s21, $0x3  }
0x11: {  	s21 =	simm.s32 $0x15400;
	[dreg:$0x7] =	wrdreg s0;
	s19 =	sadd.s32 s4, s18  }
0x12: {  	[dreg:$0x8] =	wrdreg s20;
	s22 =	sshrl.u32 s5, $0x3;
	s24 =	sshrl.u32 s23, $0x3  }
0x13: {  	s26 =	sshrl.u32 s25, $0x3;
	s15 =	sadd.s32 s3, s4;
	s18 =	simm.s32 $0x64  }
0x14: {  	s23 =	simm.s32 $0x18800;
	s25 =	simm.s32 $0x1BC00;
	s0 =	simm.s32 $0x6  }
0x15: {  	s3 =	simm.s32 $0x7;
	s20 =	simm.s32 $0x8;
	s8 =	sadd.s32 $0x18600, s19  }
0x16: {  	s9 =	sadd.s32 $0x18C80, s19;
	s10 =	sadd.s32 $0x19300, s19;
	s11 =	sadd.s32 $0x19980, s19  }
0x17: {  	s12 =	sadd.s32 s22, s4;
	s13 =	sadd.s32 s24, s4;
	s14 =	sadd.s32 s26, s4  }
0x18: {  	s19 =	simm.s32 $0x12000;
	s26 =	simm.s32 $0x1;
	s22 =	simm.s32 $0x0  }
.LBB2_1:
0x19: {  	s4 =	rddreg [dreg:$0x5]  }
0x1a: {  	s5 =	rddreg [dreg:$0x6]  }
0x1b: {  	[spmem:s16], [sflag:s5] =	dma.local [hbm:s4], $0x2000  }
0x1c: {  	_ =	swait.ge [sflag:s17], $0x2000  }
0x1d: {  	[sflag:s17] =	ssyncset.done $0x0  }
0x1e: {  	s6 =	rddreg [dreg:$0x7];
	[sflag:s17] =	ssyncadd.s32 $0xFFFFE000  }
0x1f: {  	[tilespmem:s2], [sflag:$0x9] =	stream.linear.gather [hbm4b:s6+s2], $0x2000, $0x38;
	[tilespmem:$0x1F000] =	vst v63  }
0x20: {  	_ =	swait.ge [sflag:s17], $0x2000  }
0x21: {  	[sflag:s17] =	ssyncset.done $0x0  }
0x22: {  	[sflag:s17] =	ssyncadd.s32 $0xFFFFE000  }
0x23: {  	[bflag:$0x0] =	sbarrier.arrive $0xFFFF  }
0x24: {  	[tilespmem:s19], [sflag:$0x1] =	stream.indirect.gather [spmem:s1], $0x80, s2, s18, $0xb8;
	[tilespmem:$0x1F000] =	vst v63  }
0x25: {  	s7 =	simm.s32 $0x80  }
0x26: {  	[tilespmem:s21], [sflag:$0x2] =	stream.indirect.gather [spmem:s1], $0x80, s7, s18, $0xb8;
	[tilespmem:$0x1F000] =	vst v63  }
0x27: {  	s24 =	simm.s32 $0x100  }
0x28: {  	[tilespmem:s23], [sflag:$0x3] =	stream.indirect.gather [spmem:s1], $0x80, s24, s18, $0xb8;
	[tilespmem:$0x1F000] =	vst v63  }
0x29: {  	s5 =	simm.s32 $0x180  }
0x2a: {  	[tilespmem:s25], [sflag:$0x4] =	stream.indirect.gather [spmem:s1], $0x80, s5, s18, $0xb8;
	[tilespmem:$0x1F000] =	vst v63  }
0x2b: {  	_ =	swait.ge [sflag:s26], $0x3200  }
0x2c: {  	[sflag:s26] =	ssyncset.done $0x0  }
0x2d: {  	s6 =	sadd.s32 $0x0, s15;
	[sflag:s26] =	ssyncadd.s32 $0xFFFFCE00  }
0x2e: {  	[hbm4b:s6+s2] =	stream.linear.scatter [tilespmem:s19], [sflag:$0x5], $0x3200, $0x38;
	[tilespmem:$0x1F000] =	vst v63  }
0x2f: {  	_ =	swait.ge [sflag:s28], $0x3200  }
0x30: {  	[sflag:s28] =	ssyncset.done $0x0  }
0x31: {  	s7 =	sadd.s32 $0x0, s14;
	[sflag:s28] =	ssyncadd.s32 $0xFFFFCE00  }
0x32: {  	[hbm4b:s7+s2] =	stream.linear.scatter [tilespmem:s21], [sflag:$0x6], $0x3200, $0x38;
	[tilespmem:$0x1F000] =	vst v63  }
0x33: {  	_ =	swait.ge [sflag:s29], $0x3200  }
0x34: {  	[sflag:s29] =	ssyncset.done $0x0  }
0x35: {  	s24 =	sadd.s32 $0x0, s13;
	[sflag:s29] =	ssyncadd.s32 $0xFFFFCE00  }
0x36: {  	[hbm4b:s24+s2] =	stream.linear.scatter [tilespmem:s23], [sflag:$0x7], $0x3200, $0x38;
	[tilespmem:$0x1F000] =	vst v63  }
0x37: {  	_ =	swait.ge [sflag:s30], $0x3200  }
0x38: {  	[sflag:s30] =	ssyncset.done $0x0  }
0x39: {  	s5 =	sadd.s32 $0x0, s12;
	[sflag:s30] =	ssyncadd.s32 $0xFFFFCE00  }
0x3a: {  	[hbm4b:s5+s2] =	stream.linear.scatter [tilespmem:s25], [sflag:$0x8], $0x3200, $0x38;
	[tilespmem:$0x1F000] =	vst v63  }
0x3b: {  	_ =	swait.ge [sflag:s31], $0x3200  }
0x3c: {  	[sflag:s31] =	ssyncset.done $0x0  }
0x3d: {  	s6 =	simm.s32 $0x200;
	[sflag:s31] =	ssyncadd.s32 $0xFFFFCE00  }
0x3e: {  	[tilespmem:s19], [sflag:$0x1] =	stream.indirect.gather [spmem:s1], $0x80, s6, s18, $0xb8;
	[tilespmem:$0x1F000] =	vst v63  }
0x3f: {  	_ =	swait.ge [sflag:s0], $0x3200  }
0x40: {  	[sflag:s0] =	ssyncset.done $0x0  }
0x41: {  	s7 =	simm.s32 $0x280;
	[sflag:s0] =	ssyncadd.s32 $0xFFFFCE00  }
0x42: {  	[tilespmem:s21], [sflag:$0x2] =	stream.indirect.gather [spmem:s1], $0x80, s7, s18, $0xb8;
	[tilespmem:$0x1F000] =	vst v63  }
0x43: {  	_ =	swait.ge [sflag:s3], $0x3200  }
0x44: {  	[sflag:s3] =	ssyncset.done $0x0  }
0x45: {  	s24 =	simm.s32 $0x300;
	[sflag:s3] =	ssyncadd.s32 $0xFFFFCE00  }
0x46: {  	[tilespmem:s23], [sflag:$0x3] =	stream.indirect.gather [spmem:s1], $0x80, s24, s18, $0xb8;
	[tilespmem:$0x1F000] =	vst v63  }
0x47: {  	_ =	swait.ge [sflag:s20], $0x3200  }
0x48: {  	s4 =	simm.s32 $0x1A00;
	[sflag:s20] =	ssyncset.done $0x0  }
0x49: {  	s5 =	simm.s32 $0x580;
	s24 =	simm.s32 $0x380;
	[sflag:s20] =	ssyncadd.s32 $0xFFFFCE00  }
.LBB2_2:
0x4a: {  	[tilespmem:s25], [sflag:$0x4] =	stream.indirect.gather [spmem:s1], $0x80, s24, s18, $0xb8;
	[tilespmem:$0x1F000] =	vst v63  }
0x4b: {  	s6 =	smov.u32 s4;
	s24 =	smov.u32 s5  }
0x4c: {  	p0 =	sne.s32 s4, $0x16C00;
	s4 =	sadd.s32 $0x1A00, s4;
	_ =	swait.ge [sflag:s26], $0x3200  }
0x4d: {  	[sflag:s26] =	ssyncset.done $0x0  }
0x4e: {  	s7 =	sadd.s32 s6, s15;
	[sflag:s26] =	ssyncadd.s32 $0xFFFFCE00  }
0x4f: {  	[hbm4b:s7+s2] =	stream.linear.scatter [tilespmem:s19], [sflag:$0x5], $0x3200, $0x38;
	[tilespmem:$0x1F000] =	vst v63  }
0x50: {  	_ =	swait.ge [sflag:s28], $0x3200  }
0x51: {  	[sflag:s28] =	ssyncset.done $0x0  }
0x52: {  	s7 =	sadd.s32 s6, s14;
	[sflag:s28] =	ssyncadd.s32 $0xFFFFCE00  }
0x53: {  	[hbm4b:s7+s2] =	stream.linear.scatter [tilespmem:s21], [sflag:$0x6], $0x3200, $0x38;
	[tilespmem:$0x1F000] =	vst v63  }
0x54: {  	_ =	swait.ge [sflag:s29], $0x3200  }
0x55: {  	[sflag:s29] =	ssyncset.done $0x0  }
0x56: {  	s7 =	sadd.s32 s6, s13;
	[sflag:s29] =	ssyncadd.s32 $0xFFFFCE00  }
0x57: {  	[hbm4b:s7+s2] =	stream.linear.scatter [tilespmem:s23], [sflag:$0x7], $0x3200, $0x38;
	[tilespmem:$0x1F000] =	vst v63  }
0x58: {  	_ =	swait.ge [sflag:s30], $0x3200  }
0x59: {  	[sflag:s30] =	ssyncset.done $0x0  }
0x5a: {  	s6 =	sadd.s32 s6, s12;
	[sflag:s30] =	ssyncadd.s32 $0xFFFFCE00  }
0x5b: {  	[hbm4b:s6+s2] =	stream.linear.scatter [tilespmem:s25], [sflag:$0x8], $0x3200, $0x38;
	[tilespmem:$0x1F000] =	vst v63  }
0x5c: {  	_ =	swait.ge [sflag:s31], $0x3200  }
0x5d: {  	[sflag:s31] =	ssyncset.done $0x0  }
0x5e: {  	s6 =	sadd.s32 $0xFFFFFE80, s5;
	[sflag:s31] =	ssyncadd.s32 $0xFFFFCE00  }
0x5f: {  	[tilespmem:s19], [sflag:$0x1] =	stream.indirect.gather [spmem:s1], $0x80, s6, s18, $0xb8;
	[tilespmem:$0x1F000] =	vst v63  }
0x60: {  	_ =	swait.ge [sflag:s0], $0x3200  }
0x61: {  	[sflag:s0] =	ssyncset.done $0x0  }
0x62: {  	s6 =	sadd.s32 $0xFFFFFF00, s5;
	[sflag:s0] =	ssyncadd.s32 $0xFFFFCE00  }
0x63: {  	[tilespmem:s21], [sflag:$0x2] =	stream.indirect.gather [spmem:s1], $0x80, s6, s18, $0xb8;
	[tilespmem:$0x1F000] =	vst v63  }
0x64: {  	_ =	swait.ge [sflag:s3], $0x3200  }
0x65: {  	[sflag:s3] =	ssyncset.done $0x0  }
.Ltmp0:
0x66: {  	s6 =	sadd.s32 $0xFFFFFF80, s5;
	[sflag:s3] =	ssyncadd.s32 $0xFFFFCE00;
	(pc) =	sbr.rel @p0 .LBB2_2-.Ltmp0, $4  }
0x67: {  	[tilespmem:s23], [sflag:$0x3] =	stream.indirect.gather [spmem:s1], $0x80, s6, s18, $0xb8;
	[tilespmem:$0x1F000] =	vst v63  }
0x68: {  	_ =	swait.ge [sflag:s20], $0x3200  }
0x69: {  	[sflag:s20] =	ssyncset.done $0x0  }
0x6a: {  	s5 =	sadd.s32 $0x200, s5;
	[sflag:s20] =	ssyncadd.s32 $0xFFFFCE00  }
0x6b: {  	[tilespmem:s25], [sflag:$0x4] =	stream.indirect.gather [spmem:s1], $0x80, s24, s18, $0xb8;
	[tilespmem:$0x1F000] =	vst v63  }
0x6c: {  	_ =	swait.ge [sflag:s26], $0x3200  }
0x6d: {  	[sflag:s26] =	ssyncset.done $0x0  }
0x6e: {  	[sflag:s26] =	ssyncadd.s32 $0xFFFFCE00  }
0x6f: {  	[hbm4b:s8+s2] =	stream.linear.scatter [tilespmem:s19], [sflag:$0x5], $0x3200, $0x38;
	[tilespmem:$0x1F000] =	vst v63  }
0x70: {  	_ =	swait.ge [sflag:s28], $0x3200  }
0x71: {  	[sflag:s28] =	ssyncset.done $0x0  }
0x72: {  	[sflag:s28] =	ssyncadd.s32 $0xFFFFCE00  }
0x73: {  	[hbm4b:s9+s2] =	stream.linear.scatter [tilespmem:s21], [sflag:$0x6], $0x3200, $0x38;
	[tilespmem:$0x1F000] =	vst v63  }
0x74: {  	_ =	swait.ge [sflag:s29], $0x3200  }
0x75: {  	[sflag:s29] =	ssyncset.done $0x0  }
0x76: {  	[sflag:s29] =	ssyncadd.s32 $0xFFFFCE00  }
0x77: {  	[hbm4b:s10+s2] =	stream.linear.scatter [tilespmem:s23], [sflag:$0x7], $0x3200, $0x38;
	[tilespmem:$0x1F000] =	vst v63  }
0x78: {  	_ =	swait.ge [sflag:s30], $0x3200  }
0x79: {  	[sflag:s30] =	ssyncset.done $0x0  }
0x7a: {  	[sflag:s30] =	ssyncadd.s32 $0xFFFFCE00  }
0x7b: {  	[hbm4b:s11+s2] =	stream.linear.scatter [tilespmem:s25], [sflag:$0x8], $0x3200, $0x38;
	[tilespmem:$0x1F000] =	vst v63  }
0x7c: {  	_ =	swait.ge [sflag:s31], $0x3200  }
0x7d: {  	[sflag:s31] =	ssyncset.done $0x0  }
0x7e: {  	[sflag:s31] =	ssyncadd.s32 $0xFFFFCE00  }
0x7f: {  	_ =	swait.ge [sflag:s0], $0x3200  }
0x80: {  	[sflag:s0] =	ssyncset.done $0x0  }
0x81: {  	[sflag:s0] =	ssyncadd.s32 $0xFFFFCE00  }
0x82: {  	_ =	swait.ge [sflag:s3], $0x3200  }
0x83: {  	[sflag:s3] =	ssyncset.done $0x0  }
0x84: {  	[sflag:s3] =	ssyncadd.s32 $0xFFFFCE00  }
0x85: {  	_ =	swait.ge [sflag:s20], $0x3200  }
0x86: {  	s22 =	sadd.s32 $0x1, s22;
	s4 =	rddreg [dreg:$0x8]  }
0x87: {  	p0 =	sne.s32 s22, s4  }
.Ltmp1:
0x88: {  	_ = 	snop;
	(pc) =	sbr.rel @p0 .LBB2_1-.Ltmp1, $3  }
0x89: {  	_ =	sdelay $0x1  }
0x8a: {  	[sflag:s20] =	ssyncset.done $0x0  }
0x8b: {  	[sflag:s20] =	ssyncadd.s32 $0xFFFFCE00  }
0x8c: {  	_ =	sfence.sel $0x180000  }
0x8d: {  	[bflag:$0x0] =	sbarrier.arrive $0xFFFF  }
0x8e: {  	_ =	strace $0x90000047  }
0x8f: {  	s0 =	stileid.u32;
	[bflag:$0x2] =	sbarrier.arrive $0xFFFF  }
0x90: {  	p0 =	sne.s32 s0, $0x0;
	s0 =	rddreg [dreg:$0x4]  }
0x91: {  	s0 =	sadd.s32 @!p0 $0x100000, s0  }
0x92: {  	[sflag:s0] =	ssyncadd.tile.s32 @!p0 $0x1;
	_ =	shalt  }
.Lfunc_end2:
_tile_overlayer_lowered:
.L_overlay_start_2:
0x93: {  	(tag) =	ssettag $0x2  }
0x94: {  	s0 =	rddreg [dreg:$0x0];
	s2 =	stileid.u32  }
0x95: {  	s1 =	rddreg [dreg:$0x1];
	p0 =	sne.s32 s2, $0x0  }
0x96: {  	s3 =	rddreg [dreg:$0x2];
	[bflag:$0x3] =	sbarrier.arrive $0xFFFF;
	s2 =	simm.s32 @!p0 $0x1C09  }
0x97: {  	[timem:s3], [sflag:s2] =	dma.local @!p0 [hbm:s0], s1  }
0x98: {  	s0 =	simm.s32 @!p0 $0x9  }
0x99: {  	_ =	swait.ge @!p0 [sflag:s0], s1  }
0x9a: {  	s1 =	ssub.s32 @!p0 $0x0, s1;
	[sflag:s0] =	ssyncset.done @!p0 $0x0  }
0x9b: {  	[sflag:s0] =	ssyncadd.s32 @!p0 s1  }
0x9c: {  	[bflag:$0x3] =	sbarrier.arrive $0xFFFF  }
0x9d: {  	_ =	shalt  }

</sc_bundles>
